<compile_context>
chip_gen: v7x
topology: tpu7x:2x2x1
jax: 0.10.2.dev20260603
libtpu: 0.0.44.dev20260713+nightly
codegen_flags: <defaults>
</compile_context>

<pallas_src>
import functools

import jax
import jax.numpy as jnp
from jax import lax
from jax.experimental import pallas as pl
from jax.experimental.pallas import tpu as pltpu
from jax.experimental.pallas import tpu_sc as plsc

B, Z, K = 1024, 512, 10000
THR = 0.6
MARGIN = 0.3
KT = 2000
NKT = K // KT


def _adjust_body(x_ref, v_ref):
    x = x_ref[...]
    v0 = x / jnp.sqrt(jnp.sum(x * x, axis=1, keepdims=True))
    g = lax.dot_general(v0, v0, (((1,), (1,)), ((), ())))
    mask = (1.0 - g) < THR
    mask_f = mask.astype(jnp.float32)
    counts = jnp.sum(mask_f, axis=1, keepdims=True)
    summed = lax.dot_general(mask_f, v0, (((1,), (0,)), ((), ())))
    v_ref[...] = summed / counts


def _tc_adjust(id_vectors):
    return pl.pallas_call(
        _adjust_body,
        out_shape=jax.ShapeDtypeStruct((B, Z), jnp.float32),
    )(id_vectors)



def _fused_body(x_ref, a_ref, idx_ref, v_ref, bd_ref, bi_ref):
    i = pl.program_id(0)

    @pl.when(i == 0)
    def _():
        x = x_ref[...]
        v0 = x / jnp.sqrt(jnp.sum(x * x, axis=1, keepdims=True))
        g = lax.dot_general(v0, v0, (((1,), (1,)), ((), ())))
        mask_f = ((1.0 - g) < THR).astype(jnp.float32)
        counts = jnp.sum(mask_f, axis=1, keepdims=True)
        summed = lax.dot_general(mask_f, v0, (((1,), (0,)), ((), ())))
        v_ref[...] = summed / counts

    a = a_ref[...]
    an = a / jnp.sqrt(jnp.sum(a * a, axis=1, keepdims=True))
    s = lax.dot_general(v_ref[...], an, (((1,), (1,)), ((), ())))
    io = lax.broadcasted_iota(jnp.int32, (B, KT), 1).astype(jnp.float32)
    m = jnp.min(jnp.abs((1.0 - s) - MARGIN), axis=1, keepdims=True)
    la = jnp.min(
        jnp.where(jnp.abs((1.0 - s) - MARGIN) == m, io, jnp.float32(KT)),
        axis=1, keepdims=True) + jnp.float32(i * KT)

    @pl.when(i == 0)
    def _():
        bd_ref[...] = m
        bi_ref[...] = la

    @pl.when(i > 0)
    def _():
        upd = m < bd_ref[...]
        bi_ref[...] = jnp.where(upd, la, bi_ref[...])
        bd_ref[...] = jnp.where(upd, m, bd_ref[...])

    @pl.when(i == NKT - 1)
    def _():
        idx_ref[...] = bi_ref[...].astype(jnp.int32).T.reshape(B)


def _tc_fused(id_vectors, anchors):
    return pl.pallas_call(
        _fused_body,
        grid=(NKT,),
        in_specs=[
            pl.BlockSpec((B, Z), lambda i: (0, 0)),
            pl.BlockSpec((KT, Z), lambda i: (i, 0)),
        ],
        out_specs=pl.BlockSpec((B,), lambda i: (0,)),
        out_shape=jax.ShapeDtypeStruct((B,), jnp.int32),
        scratch_shapes=[
            pltpu.VMEM((B, Z), jnp.float32),
            pltpu.VMEM((B, 1), jnp.float32),
            pltpu.VMEM((B, 1), jnp.float32),
        ],
        compiler_params=pltpu.CompilerParams(
            dimension_semantics=("arbitrary",),
        ),
    )(id_vectors, anchors)



_NC, _NS = 2, 16
_NW = _NC * _NS
_BPW = B // _NW


def _sc_gather_body(table_hbm, idx_hbm, out_hbm, idx_v, rows_v, sem):
    wid = lax.axis_index("s") * _NC + lax.axis_index("c")
    base = wid * _BPW
    pltpu.sync_copy(idx_hbm.at[pl.ds(base, _BPW)], idx_v)
    pltpu.async_copy(table_hbm.at[idx_v], rows_v, sem).wait()
    pltpu.sync_copy(rows_v, out_hbm.at[pl.ds(base, _BPW)])


@functools.cache
def _make_sc_gather():
    return functools.partial(
        pl.kernel,
        mesh=plsc.VectorSubcoreMesh(core_axis_name="c", subcore_axis_name="s"),
        out_type=jax.ShapeDtypeStruct((B, Z), jnp.float32),
        scratch_types=[
            pltpu.VMEM((_BPW,), jnp.int32),
            pltpu.VMEM((_BPW, Z), jnp.float32),
            pltpu.SemaphoreType.DMA,
        ],
    )(_sc_gather_body)



def kernel(id_vectors, anchors):
    idx = _tc_fused(id_vectors, anchors)
    return _make_sc_gather()(anchors, idx)

# --- scband reference (transcript-rebuilt; emitter-appended) ---
"""Pipeline reference for scband-tracker-torch-75007308857870 (READ-ONLY COPY).

The authoritative reference and input builder live on the scoring server;
editing this copy changes nothing except your own understanding.
"""

import jax, jax.numpy as jnp
import numpy as np

B, Z, K = 1024, 512, 10000
THRESHOLD = 0.6
MARGIN = 0.3


def setup_inputs(seed: int = 0) -> dict:
    key = jax.random.key(seed)
    k1, k2 = jax.random.split(key)
    id_vectors = jax.random.normal(k1, (B, Z), dtype=jnp.float32)
    # Stand-in for the slerp-interpolated anchor buffer loaded from all_avg_id.npy
    anchors = jax.random.normal(k2, (K, Z), dtype=jnp.float32)
    return {"id_vectors": id_vectors, "anchors": anchors}


def _check_same_similarity(v, threshold):
    # cos distance among the batch
    cos_d = 1.0 - jnp.matmul(v, v.T)
    similarity_matrix_mask = cos_d < threshold
    match_per_sample = similarity_matrix_mask.sum(axis=0)
    # sum_j mask[i, j] * v[j]  (equivalent to masked repeat + sum in the torch code)
    mask_f = similarity_matrix_mask.astype(v.dtype)
    summed = jnp.matmul(mask_f, v)
    adjusted_vectors = summed / match_per_sample.astype(v.dtype)[:, None]
    return adjusted_vectors


def reference(id_vectors, anchors):
    # First-call branch (stored_v is None): anonymize against anchor bank.
    anchors_normalized = anchors / jnp.linalg.norm(anchors, axis=1, keepdims=True)
    v = id_vectors / jnp.linalg.norm(id_vectors, axis=1, keepdims=True)
    v = _check_same_similarity(v, THRESHOLD)
    cos_d = 1.0 - jnp.matmul(v, anchors_normalized.T)
    d = jnp.abs(cos_d - MARGIN)
    idx = jnp.argmin(d, axis=1)
    anonymized_vector = jnp.take(anchors, idx, axis=0)
    return anonymized_vector

if __name__ == "__main__":
    import jax
    _d = setup_inputs()
    print(jax.jit(kernel)(*tuple(_d.values())))

</pallas_src>

<mosaic_0001>
#map = affine_map<(d0, d1) -> (0, 0)>
#map1 = affine_map<(d0, d1) -> (0)>
module attributes {stable_mosaic.version = 14 : i64} {
  func.func @_sc_gather_body(%arg0: i32, %arg1: i32, %arg2: memref<10000x512xf32, #tpu.memory_space<hbm>>, %arg3: memref<1024xi32, #tpu.memory_space<hbm>>, %arg4: memref<1024x512xf32, #tpu.memory_space<hbm>>, %arg5: memref<32xi32, #tpu.memory_space<vmem>>, %arg6: memref<32x512xf32, #tpu.memory_space<vmem>>, %arg7: memref<!tpu.dma_semaphore, #tpu.memory_space<semaphore_mem>>) attributes {dimension_semantics = [#tpu.dimension_semantics<core_parallel>, #tpu.dimension_semantics<subcore_parallel>], iteration_bounds = array<i64: 2, 16>, scalar_prefetch = 0 : i64, scratch_operands = 3 : i64, tpu.core_type = #tpu.core_type<sc_vector_subcore>, window_params = [{transform_indices = #map}, {transform_indices = #map1}, {transform_indices = #map}]} {
    %mul3A = arith.constant 2 : i32
    %mul3A_0 = arith.muli %arg1, %mul3A : i32
    %add3A = arith.addi %mul3A_0, %arg0 : i32
    %mul3A_1 = arith.constant 32 : i32
    %mul3A_2 = arith.muli %add3A, %mul3A_1 : i32
    "tpu.region"() ({
      %run_scoped3A = tpu.sem_alloc : memref<!tpu.dma_semaphore, #tpu.memory_space<semaphore_mem>>
      %dma_start3A_7 = tpu.memref_slice %arg3[%mul3A_2] : memref<1024xi32, #tpu.memory_space<hbm>> -> memref<32xi32, #tpu.memory_space<hbm>>
      %dma_start3A_8 = tpu.memref_slice %arg3[%mul3A_2] : memref<1024xi32, #tpu.memory_space<hbm>> -> memref<32xi32, #tpu.memory_space<hbm>>
      tpu.enqueue_dma source(%dma_start3A_8 : memref<32xi32, #tpu.memory_space<hbm>>) target(%arg5 : memref<32xi32, #tpu.memory_space<vmem>>) target_semaphore(%run_scoped3A : memref<!tpu.dma_semaphore, #tpu.memory_space<semaphore_mem>>)
      %dma_wait3A_9 = tpu.memref_slice %arg3[%mul3A_2] : memref<1024xi32, #tpu.memory_space<hbm>> -> memref<32xi32, #tpu.memory_space<hbm>>
      %dma_wait3A_10 = tpu.memref_slice %arg3[%mul3A_2] : memref<1024xi32, #tpu.memory_space<hbm>> -> memref<32xi32, #tpu.memory_space<hbm>>
      tpu.wait_dma2 semaphore(%run_scoped3A : memref<!tpu.dma_semaphore, #tpu.memory_space<semaphore_mem>>) src(%dma_wait3A_10 : memref<32xi32, #tpu.memory_space<hbm>>) dst(%arg5 : memref<32xi32, #tpu.memory_space<vmem>>)
      tpu.yield
    }) : () -> ()
    %dma_start3A = arith.constant 0 : i32
    %dma_start3A_3 = arith.constant 0 : i32
    %dma_start3A_4 = tpu.memref_slice %arg2[%dma_start3A, %dma_start3A_3] : memref<10000x512xf32, #tpu.memory_space<hbm>> -> memref<10000x512xf32, #tpu.memory_space<hbm>>
    tpu.enqueue_indirect_dma source(%dma_start3A_4 : memref<10000x512xf32, #tpu.memory_space<hbm>>) target(%arg6 : memref<32x512xf32, #tpu.memory_space<vmem>>) offsets(%arg5 : memref<32xi32, #tpu.memory_space<vmem>>) semaphore(%arg7 : memref<!tpu.dma_semaphore, #tpu.memory_space<semaphore_mem>>)
    %dma_wait3A = arith.constant 0 : i32
    %dma_wait3A_5 = arith.constant 0 : i32
    %dma_wait3A_6 = tpu.memref_slice %arg2[%dma_wait3A, %dma_wait3A_5] : memref<10000x512xf32, #tpu.memory_space<hbm>> -> memref<10000x512xf32, #tpu.memory_space<hbm>>
    tpu.wait_indirect_dma semaphore(%arg7 : memref<!tpu.dma_semaphore, #tpu.memory_space<semaphore_mem>>) src(%dma_wait3A_6 : memref<10000x512xf32, #tpu.memory_space<hbm>>) dst(%arg6 : memref<32x512xf32, #tpu.memory_space<vmem>>)
    "tpu.region"() ({
      %run_scoped3A = tpu.sem_alloc : memref<!tpu.dma_semaphore, #tpu.memory_space<semaphore_mem>>
      %dma_start3A_7 = arith.constant 0 : i32
      %dma_start3A_8 = tpu.memref_slice %arg4[%mul3A_2, %dma_start3A_7] : memref<1024x512xf32, #tpu.memory_space<hbm>> -> memref<32x512xf32, #tpu.memory_space<hbm>>
      %dma_start3A_9 = arith.constant 0 : i32
      %dma_start3A_10 = tpu.memref_slice %arg4[%mul3A_2, %dma_start3A_9] : memref<1024x512xf32, #tpu.memory_space<hbm>> -> memref<32x512xf32, #tpu.memory_space<hbm>>
      tpu.enqueue_dma source(%arg6 : memref<32x512xf32, #tpu.memory_space<vmem>>) target(%dma_start3A_10 : memref<32x512xf32, #tpu.memory_space<hbm>>) target_semaphore(%run_scoped3A : memref<!tpu.dma_semaphore, #tpu.memory_space<semaphore_mem>>)
      %dma_wait3A_11 = arith.constant 0 : i32
      %dma_wait3A_12 = tpu.memref_slice %arg4[%mul3A_2, %dma_wait3A_11] : memref<1024x512xf32, #tpu.memory_space<hbm>> -> memref<32x512xf32, #tpu.memory_space<hbm>>
      %dma_wait3A_13 = arith.constant 0 : i32
      %dma_wait3A_14 = tpu.memref_slice %arg4[%mul3A_2, %dma_wait3A_13] : memref<1024x512xf32, #tpu.memory_space<hbm>> -> memref<32x512xf32, #tpu.memory_space<hbm>>
      tpu.wait_dma2 semaphore(%run_scoped3A : memref<!tpu.dma_semaphore, #tpu.memory_space<semaphore_mem>>) src(%arg6 : memref<32x512xf32, #tpu.memory_space<vmem>>) dst(%dma_wait3A_14 : memref<32x512xf32, #tpu.memory_space<hbm>>)
      tpu.yield
    }) : () -> ()
    return
  }
}

module attributes {stable_mosaic.version = 14 : i64} {
  func.func @_fused_body(%arg0: i32, %arg1: memref<1024x512xf32, #tpu.memory_space<vmem>>, %arg2: memref<2000x512xf32, #tpu.memory_space<vmem>>, %arg3: memref<1024xi32, #tpu.memory_space<vmem>>, %arg4: memref<1024x512xf32, #tpu.memory_space<vmem>>, %arg5: memref<1024x1xf32, #tpu.memory_space<vmem>>, %arg6: memref<1024x1xf32, #tpu.memory_space<vmem>>) attributes {dimension_semantics = [#tpu.dimension_semantics<arbitrary>], iteration_bounds = array<i64: 5>, scalar_prefetch = 0 : i64, scratch_operands = 3 : i64, tpu.core_type = #tpu.core_type<tc>, window_params = [{pipeline_mode = #tpu.pipeline_mode<synchronous>, transform_indices = @transform_0, window_bounds = array<i64: 1024, 512>}, {transform_indices = @transform_1, window_bounds = array<i64: 2000, 512>}, {pipeline_mode = #tpu.pipeline_mode<synchronous>, transform_indices = @transform_2, window_bounds = array<i64: 1024>}]} {
    %eq3A = arith.constant 0 : i32
    %eq3A_0 = arith.cmpi eq, %arg0, %eq3A : i32
    %convert_element_type3A = arith.extui %eq3A_0 : i1 to i32
    %cond3A = arith.constant 0 : i32
    %cond3A_1 = arith.cmpi ne, %convert_element_type3A, %cond3A : i32
    scf.if %cond3A_1 {
      %get3A_49 = arith.constant 0 : index
      %get3A_50 = arith.constant 0 : index
      %get3A_51 = vector.load %arg1[%get3A_49, %get3A_50] : memref<1024x512xf32, #tpu.memory_space<vmem>>, vector<1024x512xf32>
      %mul3A_52 = arith.mulf %get3A_51, %get3A_51 : vector<1024x512xf32>
      %reduce_sum3A_53 = arith.constant dense<0.000000e+00> : vector<1024xf32>
      %reduce_sum3A_54 = vector.multi_reduction <add>, %mul3A_52, %reduce_sum3A_53 [1] : vector<1024x512xf32> to vector<1024xf32>
      %broadcast_in_dim3A_55 = vector.shape_cast %reduce_sum3A_54 : vector<1024xf32> to vector<1024x1xf32>
      %sqrt3A_56 = math.sqrt %broadcast_in_dim3A_55 : vector<1024x1xf32>
      %div3A_57 = vector.broadcast %sqrt3A_56 : vector<1024x1xf32> to vector<1024x512xf32>
      %div3A_58 = arith.divf %get3A_51, %div3A_57 : vector<1024x512xf32>
      %dot_general3A_59 = arith.constant dense<0.000000e+00> : vector<1024x1024xf32>
      %dot_general3A_60 = tpu.matmul %div3A_58, %div3A_58, %dot_general3A_59 {dimension_numbers = #tpu.dot_dimension_numbers<[1], [1], [0], [0], [0, 0, 1, 0], [], []>, transpose_lhs_hint = false} : vector<1024x512xf32>, vector<1024x512xf32>, vector<1024x1024xf32> -> vector<1024x1024xf32>
      %sub3A_61 = arith.constant 1.000000e+00 : f32
      %sub3A_62 = vector.broadcast %sub3A_61 : f32 to vector<1024x1024xf32>
      %sub3A_63 = arith.subf %sub3A_62, %dot_general3A_60 : vector<1024x1024xf32>
      %lt3A = arith.constant 6.000000e-01 : f32
      %lt3A_64 = vector.broadcast %lt3A : f32 to vector<1024x1024xf32>
      %lt3A_65 = arith.cmpf olt, %sub3A_63, %lt3A_64 : vector<1024x1024xf32>
      %convert_element_type3A_66 = arith.extui %lt3A_65 : vector<1024x1024xi1> to vector<1024x1024xi32>
      %convert_element_type3A_67 = arith.sitofp %convert_element_type3A_66 : vector<1024x1024xi32> to vector<1024x1024xf32>
      %reduce_sum3A_68 = arith.constant dense<0.000000e+00> : vector<1024xf32>
      %reduce_sum3A_69 = vector.multi_reduction <add>, %convert_element_type3A_67, %reduce_sum3A_68 [1] : vector<1024x1024xf32> to vector<1024xf32>
      %broadcast_in_dim3A_70 = vector.shape_cast %reduce_sum3A_69 : vector<1024xf32> to vector<1024x1xf32>
      %dot_general3A_71 = arith.constant dense<0.000000e+00> : vector<1024x512xf32>
      %dot_general3A_72 = tpu.matmul %convert_element_type3A_67, %div3A_58, %dot_general3A_71 {dimension_numbers = #tpu.dot_dimension_numbers<[1], [0], [0], [1], [0, 0, 1, 1], [], []>, transpose_lhs_hint = false} : vector<1024x1024xf32>, vector<1024x512xf32>, vector<1024x512xf32> -> vector<1024x512xf32>
      %div3A_73 = vector.broadcast %broadcast_in_dim3A_70 : vector<1024x1xf32> to vector<1024x512xf32>
      %div3A_74 = arith.divf %dot_general3A_72, %div3A_73 : vector<1024x512xf32>
      %swap3A = arith.constant 0 : index
      %swap3A_75 = arith.constant 0 : index
      %swap3A_76 = vector.load %arg4[%swap3A, %swap3A_75] : memref<1024x512xf32, #tpu.memory_space<vmem>>, vector<1024x512xf32>
      tpu.vector_store %arg4[%swap3A, %swap3A_75], %div3A_74 {strides = array<i32>} : memref<1024x512xf32, #tpu.memory_space<vmem>>, vector<1024x512xf32>,
    } else {
    }
    %get3A = arith.constant 0 : index
    %get3A_2 = arith.constant 0 : index
    %get3A_3 = vector.load %arg2[%get3A, %get3A_2] : memref<2000x512xf32, #tpu.memory_space<vmem>>, vector<2000x512xf32>
    %mul3A = arith.mulf %get3A_3, %get3A_3 : vector<2000x512xf32>
    %reduce_sum3A = arith.constant dense<0.000000e+00> : vector<2000xf32>
    %reduce_sum3A_4 = vector.multi_reduction <add>, %mul3A, %reduce_sum3A [1] : vector<2000x512xf32> to vector<2000xf32>
    %broadcast_in_dim3A = vector.shape_cast %reduce_sum3A_4 : vector<2000xf32> to vector<2000x1xf32>
    %sqrt3A = math.sqrt %broadcast_in_dim3A : vector<2000x1xf32>
    %div3A = vector.broadcast %sqrt3A : vector<2000x1xf32> to vector<2000x512xf32>
    %div3A_5 = arith.divf %get3A_3, %div3A : vector<2000x512xf32>
    %get3A_6 = arith.constant 0 : index
    %get3A_7 = arith.constant 0 : index
    %get3A_8 = vector.load %arg4[%get3A_6, %get3A_7] : memref<1024x512xf32, #tpu.memory_space<vmem>>, vector<1024x512xf32>
    %dot_general3A = arith.constant dense<0.000000e+00> : vector<1024x2000xf32>
    %dot_general3A_9 = tpu.matmul %get3A_8, %div3A_5, %dot_general3A {dimension_numbers = #tpu.dot_dimension_numbers<[1], [1], [0], [0], [0, 0, 1, 0], [], []>, transpose_lhs_hint = false} : vector<1024x512xf32>, vector<2000x512xf32>, vector<1024x2000xf32> -> vector<1024x2000xf32>
    %iota3A = tpu.iota {dimensions = array<i32: 1>} : vector<1024x2000xi32>
    %convert_element_type3A_10 = arith.sitofp %iota3A : vector<1024x2000xi32> to vector<1024x2000xf32>
    %sub3A = arith.constant 1.000000e+00 : f32
    %sub3A_11 = vector.broadcast %sub3A : f32 to vector<1024x2000xf32>
    %sub3A_12 = arith.subf %sub3A_11, %dot_general3A_9 : vector<1024x2000xf32>
    %sub3A_13 = arith.constant 3.000000e-01 : f32
    %sub3A_14 = vector.broadcast %sub3A_13 : f32 to vector<1024x2000xf32>
    %sub3A_15 = arith.subf %sub3A_12, %sub3A_14 : vector<1024x2000xf32>
    %abs3A = math.absf %sub3A_15 : vector<1024x2000xf32>
    %reduce_min3A = arith.constant dense<0x7F800000> : vector<1024xf32>
    %reduce_min3A_16 = vector.multi_reduction <minimumf>, %abs3A, %reduce_min3A [1] : vector<1024x2000xf32> to vector<1024xf32>
    %broadcast_in_dim3A_17 = vector.shape_cast %reduce_min3A_16 : vector<1024xf32> to vector<1024x1xf32>
    %sub3A_18 = arith.constant 1.000000e+00 : f32
    %sub3A_19 = vector.broadcast %sub3A_18 : f32 to vector<1024x2000xf32>
    %sub3A_20 = arith.subf %sub3A_19, %dot_general3A_9 : vector<1024x2000xf32>
    %sub3A_21 = arith.constant 3.000000e-01 : f32
    %sub3A_22 = vector.broadcast %sub3A_21 : f32 to vector<1024x2000xf32>
    %sub3A_23 = arith.subf %sub3A_20, %sub3A_22 : vector<1024x2000xf32>
    %abs3A_24 = math.absf %sub3A_23 : vector<1024x2000xf32>
    %eq3A_25 = vector.broadcast %broadcast_in_dim3A_17 : vector<1024x1xf32> to vector<1024x2000xf32>
    %eq3A_26 = arith.cmpf oeq, %abs3A_24, %eq3A_25 : vector<1024x2000xf32>
    %jit3A = arith.constant 2.000000e+03 : f32
    %broadcast_in_dim3A_27 = vector.broadcast %jit3A : f32 to vector<1024x2000xf32>
    %select_n3A = arith.select %eq3A_26, %convert_element_type3A_10, %broadcast_in_dim3A_27 : vector<1024x2000xi1>, vector<1024x2000xf32>
    %reduce_min3A_28 = arith.constant dense<0x7F800000> : vector<1024xf32>
    %reduce_min3A_29 = vector.multi_reduction <minimumf>, %select_n3A, %reduce_min3A_28 [1] : vector<1024x2000xf32> to vector<1024xf32>
    %broadcast_in_dim3A_30 = vector.shape_cast %reduce_min3A_29 : vector<1024xf32> to vector<1024x1xf32>
    %mul3A_31 = arith.constant 2000 : i32
    %mul3A_32 = arith.muli %arg0, %mul3A_31 : i32
    %convert_element_type3A_33 = arith.sitofp %mul3A_32 : i32 to f32
    %add3A = vector.broadcast %convert_element_type3A_33 : f32 to vector<1024x1xf32>
    %add3A_34 = arith.addf %broadcast_in_dim3A_30, %add3A : vector<1024x1xf32>
    %eq3A_35 = arith.constant 0 : i32
    %eq3A_36 = arith.cmpi eq, %arg0, %eq3A_35 : i32
    %convert_element_type3A_37 = arith.extui %eq3A_36 : i1 to i32
    %cond3A_38 = arith.constant 0 : i32
    %cond3A_39 = arith.cmpi ne, %convert_element_type3A_37, %cond3A_38 : i32
    scf.if %cond3A_39 {
      %swap3A = arith.constant 0 : index
      %swap3A_49 = arith.constant 0 : index
      %swap3A_50 = vector.load %arg5[%swap3A, %swap3A_49] : memref<1024x1xf32, #tpu.memory_space<vmem>>, vector<1024x1xf32>
      tpu.vector_store %arg5[%swap3A, %swap3A_49], %broadcast_in_dim3A_17 {strides = array<i32>} : memref<1024x1xf32, #tpu.memory_space<vmem>>, vector<1024x1xf32>,
      %swap3A_51 = arith.constant 0 : index
      %swap3A_52 = arith.constant 0 : index
      %swap3A_53 = vector.load %arg6[%swap3A_51, %swap3A_52] : memref<1024x1xf32, #tpu.memory_space<vmem>>, vector<1024x1xf32>
      tpu.vector_store %arg6[%swap3A_51, %swap3A_52], %add3A_34 {strides = array<i32>} : memref<1024x1xf32, #tpu.memory_space<vmem>>, vector<1024x1xf32>,
    } else {
    }
    %gt3A = arith.constant 0 : i32
    %gt3A_40 = arith.cmpi sgt, %arg0, %gt3A : i32
    %convert_element_type3A_41 = arith.extui %gt3A_40 : i1 to i32
    %cond3A_42 = arith.constant 0 : i32
    %cond3A_43 = arith.cmpi ne, %convert_element_type3A_41, %cond3A_42 : i32
    scf.if %cond3A_43 {
      %get3A_49 = arith.constant 0 : index
      %get3A_50 = arith.constant 0 : index
      %get3A_51 = vector.load %arg5[%get3A_49, %get3A_50] : memref<1024x1xf32, #tpu.memory_space<vmem>>, vector<1024x1xf32>
      %lt3A = arith.cmpf olt, %broadcast_in_dim3A_17, %get3A_51 : vector<1024x1xf32>
      %get3A_52 = arith.constant 0 : index
      %get3A_53 = arith.constant 0 : index
      %get3A_54 = vector.load %arg6[%get3A_52, %get3A_53] : memref<1024x1xf32, #tpu.memory_space<vmem>>, vector<1024x1xf32>
      %select_n3A_55 = arith.select %lt3A, %add3A_34, %get3A_54 : vector<1024x1xi1>, vector<1024x1xf32>
      %swap3A = arith.constant 0 : index
      %swap3A_56 = arith.constant 0 : index
      %swap3A_57 = vector.load %arg6[%swap3A, %swap3A_56] : memref<1024x1xf32, #tpu.memory_space<vmem>>, vector<1024x1xf32>
      tpu.vector_store %arg6[%swap3A, %swap3A_56], %select_n3A_55 {strides = array<i32>} : memref<1024x1xf32, #tpu.memory_space<vmem>>, vector<1024x1xf32>,
      %get3A_58 = arith.constant 0 : index
      %get3A_59 = arith.constant 0 : index
      %get3A_60 = vector.load %arg5[%get3A_58, %get3A_59] : memref<1024x1xf32, #tpu.memory_space<vmem>>, vector<1024x1xf32>
      %select_n3A_61 = arith.select %lt3A, %broadcast_in_dim3A_17, %get3A_60 : vector<1024x1xi1>, vector<1024x1xf32>
      %swap3A_62 = arith.constant 0 : index
      %swap3A_63 = arith.constant 0 : index
      %swap3A_64 = vector.load %arg5[%swap3A_62, %swap3A_63] : memref<1024x1xf32, #tpu.memory_space<vmem>>, vector<1024x1xf32>
      tpu.vector_store %arg5[%swap3A_62, %swap3A_63], %select_n3A_61 {strides = array<i32>} : memref<1024x1xf32, #tpu.memory_space<vmem>>, vector<1024x1xf32>,
    } else {
    }
    %eq3A_44 = arith.constant 4 : i32
    %eq3A_45 = arith.cmpi eq, %arg0, %eq3A_44 : i32
    %convert_element_type3A_46 = arith.extui %eq3A_45 : i1 to i32
    %cond3A_47 = arith.constant 0 : i32
    %cond3A_48 = arith.cmpi ne, %convert_element_type3A_46, %cond3A_47 : i32
    scf.if %cond3A_48 {
      %get3A_49 = arith.constant 0 : index
      %get3A_50 = arith.constant 0 : index
      %get3A_51 = vector.load %arg6[%get3A_49, %get3A_50] : memref<1024x1xf32, #tpu.memory_space<vmem>>, vector<1024x1xf32>
      %convert_element_type3A_52 = arith.fptosi %get3A_51 : vector<1024x1xf32> to vector<1024x1xi32>
      %transpose3A = tpu.transpose %convert_element_type3A_52, [1, 0] : vector<1024x1xi32> -> vector<1x1024xi32>
      %reshape3A = vector.shape_cast %transpose3A : vector<1x1024xi32> to vector<1024xi32>
      %swap3A = arith.constant 0 : index
      %swap3A_53 = vector.load %arg3[%swap3A] : memref<1024xi32, #tpu.memory_space<vmem>>, vector<1024xi32>
      tpu.vector_store %arg3[%swap3A], %reshape3A {strides = array<i32>} : memref<1024xi32, #tpu.memory_space<vmem>>, vector<1024xi32>,
    } else {
    }
    return
  }
  func.func @transform_0(%arg0: i32) -> (i32, i32) {
    %c0_i32 = arith.constant 0 : i32
    %c0_i32_0 = arith.constant 0 : i32
    %c0_i32_1 = arith.constant 0 : i32
    return %c0_i32, %c0_i32_0 : i32, i32
  }
  func.func @transform_1(%arg0: i32) -> (i32, i32) {
    %c0_i32 = arith.constant 0 : i32
    %c0_i32_0 = arith.constant 0 : i32
    return %arg0, %c0_i32 : i32, i32
  }
  func.func @transform_2(%arg0: i32) -> i32 {
    %c0_i32 = arith.constant 0 : i32
    %c0_i32_0 = arith.constant 0 : i32
    return %c0_i32 : i32
  }
}

</mosaic_0001>

<sc_bundles>
// kernel: kernel.4.cloned.1.call-start
scs
__scs_entry_jumppad:
0x0: {  	(pc) =	sbr.rel $0x88, $3  }
0x1: {  	(tag) =	ssettag $0x0;
	lr =	simm.s32 $0x1  }
0x2: {  	[smem:$0x3F9F] =	sst lr;
	_ =	strace $0xD0000000  }
0x3: {  	_ = 	snop  }
0x4: {  	_ = 	snop  }
0x5: {  	_ = 	snop  }
0x6: {  	_ = 	snop  }
0x7: {  	_ = 	snop  }
__scs_overlays_trampoline_lowered:
0x8: {  	[smem:$0x3FAE] =	sst s0  }
0x9: {  	[smem:$0x3FAF] =	sst s1  }
0xa: {  	[smem:$0x3FB0] =	sst s2  }
0xb: {  	[smem:$0x3FB1] =	sst s3  }
0xc: {  	[smem:$0x3FB2] =	sst s4  }
0xd: {  	[smem:$0x3FB3] =	sst s5  }
0xe: {  	[smem:$0x3FB4] =	sst s6  }
0xf: {  	[smem:$0x3FB5] =	sst s7  }
0x10: {  	[smem:$0x3FB6] =	sst s8  }
0x11: {  	[smem:$0x3FB7] =	sst s9;
	s0 =	simm.s32 @!p0 $0x0  }
0x12: {  	s1 =	sld [smem:$0x3F9D];
	s0 =	simm.s32 @p0 $0x1  }
0x13: {  	[smem:$0x3FB8] =	sst s0;
	s0 =	simm.s32 @!p1 $0x0  }
0x14: {  	s2 =	sld [smem:$0x3F9C];
	s0 =	simm.s32 @p1 $0x1  }
0x15: {  	[smem:$0x3FB9] =	sst s0;
	s0 =	simm.s32 @!p2 $0x0  }
0x16: {  	s3 =	sld [smem:$0x3FDB];
	s0 =	simm.s32 @p2 $0x1  }
0x17: {  	s4 =	simm.s32 $0x1BF5;
	[smem:$0x3FBB] =	sst s0  }
0x18: {  	s0 =	sld [smem:$0x3F9E];
	_ =	swait.ge [sflag:s4], $0x0  }
0x19: {  	s7 =	sld [smem:$0x3F9F]  }
0x1a: {  	s8 =	sadd.s32 $0xFFFFE003, lr  }
0x1b: {  	s9 =	sadd.s32 $0xFFFFFEF7, lr;
	s5 =	simm.s32 $0xFFFFFFFF;
	p2 =	slt.u32 s8, $0xFFFFF086  }
0x1c: {  	p1 =	slt.u32 s9, $0xF7A;
	s5 =	simm.s32 @!p2 $0x0  }
0x1d: {  	s5 =	simm.s32 @p1 $0x1;
	p0 =	seq.s32 s7, s2  }
0x1e: {  	s7 =	smul.u32 @!p0 $0xF7A, s2;
	p2 =	seq.s32 @!p0 s5, $0x0  }
0x1f: {  	s9 =	smul.u32 $0xF7A, s1;
	s8 =	simm.s32 @!p0 $0x1BF5;
	p2 =	por !p2, p0  }
0x20: {  	[sflag:s8] =	ssyncset.s32 @!p0 $0xFFFFF086;
	s6 =	sadd.s32 @!p0 s3, s7;
	s7 =	simm.s32 @!p0 $0x108  }
0x21: {  	s3 =	sadd.s32 s3, s9;
	s6 =	sadd.s32 @!p0 $0x88, s6;
	s7 =	simm.s32 @p2 $0x1082  }
0x22: {  	[simem:s7], [sflag:s8] =	dma.local @!p0 [hbm:s6], $0xF7A  }
0x23: {  	s9 =	sor.u32 $0xD0000000, s2;
	s6 =	simm.s32 $0x108;
	_ =	swait.ge @!p0 [sflag:s8], $0x0  }
0x24: {  	s3 =	sadd.s32 $0x88, s3;
	s6 =	simm.s32 @!p1 $0x1082;
	[sflag:s4] =	ssyncset.s32 $0xFFFFF086  }
0x25: {  	[simem:s6], [sflag:s4] =	dma.local [hbm:s3], $0xF7A  }
0x26: {  	[smem:$0x3F9F] =	sst s1;
	(tag) =	ssettag s2;
	_ =	strace s9  }
0x27: {  	s1 =	sld [smem:$0x3FAF]  }
0x28: {  	s2 =	sld [smem:$0x3FB0]  }
0x29: {  	s4 =	sld [smem:$0x3FB2]  }
0x2a: {  	p0 =	seq.s32 s5, $0x0;
	s5 =	sld [smem:$0x3FB3]  }
0x2b: {  	s6 =	sld [smem:$0x3FB4]  }
0x2c: {  	s7 =	sld [smem:$0x3FB5]  }
0x2d: {  	s3 =	simm.s32 $0x108;
	s8 =	sld [smem:$0x3FB6]  }
0x2e: {  	s3 =	simm.s32 @!p0 $0x1082;
	s9 =	sld [smem:$0x3FB7]  }
0x2f: {  	lr =	sadd.s32 s0, s3;
	s0 =	sld [smem:$0x3FAE]  }
0x30: {  	s3 =	sld [smem:$0x3FB1]  }
0x31: {  	[smem:$0x3FBA] =	sst s10  }
0x32: {  	s10 =	sld [smem:$0x3FB8];
	_ =	sdelay $0x3  }
0x33: {  	p0 =	seq.s32 s10, $0x1;
	s10 =	sld [smem:$0x3FBA];
	_ =	sdelay $0x3  }
0x34: {  	[smem:$0x3FBA] =	sst s10  }
0x35: {  	s10 =	sld [smem:$0x3FB9];
	_ =	sdelay $0x3  }
0x36: {  	p1 =	seq.s32 s10, $0x1;
	s10 =	sld [smem:$0x3FBA];
	_ =	sdelay $0x3  }
0x37: {  	[smem:$0x3FBA] =	sst s10  }
0x38: {  	s10 =	sld [smem:$0x3FBB]  }
0x39: {  	_ = 	snop;
	(pc) =	sbr.ind lr, $3  }
0x3a: {  	_ = 	snop  }
0x3b: {  	_ = 	snop  }
0x3c: {  	p2 =	seq.s32 s10, $0x1;
	s10 =	sld [smem:$0x3FBA]  }
0x3d: {  	_ =	shalt  }
0x3e: {  	_ =	shalt  }
0x3f: {  	_ =	shalt  }
0x40: {  	_ =	shalt  }
0x41: {  	_ =	shalt  }
0x42: {  	_ =	shalt  }
0x43: {  	_ =	shalt  }
0x44: {  	_ =	shalt  }
0x45: {  	_ =	shalt  }
0x46: {  	_ =	shalt  }
0x47: {  	_ =	shalt  }
0x48: {  	_ =	shalt  }
0x49: {  	_ =	shalt  }
0x4a: {  	_ =	shalt  }
0x4b: {  	_ =	shalt  }
0x4c: {  	_ =	shalt  }
0x4d: {  	_ =	shalt  }
0x4e: {  	_ =	shalt  }
0x4f: {  	_ =	shalt  }
0x50: {  	_ =	shalt  }
0x51: {  	_ =	shalt  }
0x52: {  	_ =	shalt  }
0x53: {  	_ =	shalt  }
0x54: {  	_ =	shalt  }
0x55: {  	_ =	shalt  }
0x56: {  	_ =	shalt  }
0x57: {  	_ =	shalt  }
0x58: {  	_ =	shalt  }
0x59: {  	_ =	shalt  }
0x5a: {  	_ =	shalt  }
0x5b: {  	_ =	shalt  }
0x5c: {  	_ =	shalt  }
0x5d: {  	_ =	shalt  }
0x5e: {  	_ =	shalt  }
0x5f: {  	_ =	shalt  }
0x60: {  	_ =	shalt  }
0x61: {  	_ =	shalt  }
0x62: {  	_ =	shalt  }
0x63: {  	_ =	shalt  }
0x64: {  	_ =	shalt  }
0x65: {  	_ =	shalt  }
0x66: {  	_ =	shalt  }
0x67: {  	_ =	shalt  }
0x68: {  	_ =	shalt  }
0x69: {  	_ =	shalt  }
0x6a: {  	_ =	shalt  }
0x6b: {  	_ =	shalt  }
0x6c: {  	_ =	shalt  }
0x6d: {  	_ =	shalt  }
0x6e: {  	_ =	shalt  }
0x6f: {  	_ =	shalt  }
0x70: {  	_ =	shalt  }
0x71: {  	_ =	shalt  }
0x72: {  	_ =	shalt  }
0x73: {  	_ =	shalt  }
0x74: {  	_ =	shalt  }
0x75: {  	_ =	shalt  }
0x76: {  	_ =	shalt  }
0x77: {  	_ =	shalt  }
0x78: {  	_ =	shalt  }
0x79: {  	_ =	shalt  }
0x7a: {  	_ =	shalt  }
0x7b: {  	_ =	shalt  }
0x7c: {  	_ =	shalt  }
0x7d: {  	_ =	shalt  }
0x7e: {  	_ =	shalt  }
0x7f: {  	_ =	shalt  }
0x80: {  	_ =	shalt  }
0x81: {  	_ =	shalt  }
0x82: {  	_ =	shalt  }
0x83: {  	_ =	shalt  }
0x84: {  	_ =	shalt  }
0x85: {  	_ =	shalt  }
0x86: {  	_ =	shalt  }
0x87: {  	_ =	shalt  }
.Lfunc_end0:
.L_simem_size_0:
called_computation_lowered:
.L_overlay_start_0:
0x88: {  	s2 =	sld [smem:$0x3FD9]  }
0x89: {  	s3 =	sld [smem:$0x3FFE];
	_ =	sdelay $0x1  }
0x8a: {  	s1 =	srdreg.scid  }
0x8b: {  	s0 =	sand.u32 $0x1, s1  }
0x8c: {  	s17 =	sshll.u32 s0, $0xA;
	s2 =	sadd.s32 s3, s2  }
0x8d: {  	s2 =	sadd.s32 s2, s17  }
0x8e: {  	[smem:$0x3FC6] =	sst s2  }
0x8f: {  	_ = 	snop  }
0x90: {  	s2 =	sld [smem:$0x3FC8]  }
0x91: {  	s18 =	sld [smem:$0x3FD0];
	(tm) =	ssettm $0x1  }
0x92: {  	s4 =	sld [smem:$0x3FFB];
	_ =	sdelay $0x3  }
0x93: {  	_ =	strace s4  }
0x94: {  	s4 =	sld [smem:$0x3FFC];
	_ =	sdelay $0x3  }
0x95: {  	_ =	strace s4  }
0x96: {  	s4 =	sld [smem:$0x3FFD];
	_ =	sdelay $0x3  }
0x97: {  	_ =	strace s4  }
0x98: {  	_ =	strace $0x8FFFFFFF  }
0x99: {  	s19 =	sld [smem:$0x3FDB];
	_ =	sdelay $0x1  }
0x9a: {  	s5 =	simm.s32 $_scs_section_size  }
0x9b: {  	s6 =	simm.s32 $_size__tile_overlayer_lowered;
	s7 =	simm.s32 $_tile_overlayer_lowered  }
0x9c: {  	s22 =	simm.s32 $0x1BFF;
	s21 =	sshll.u32 s7, $0x1;
	s4 =	sadd.s32 s5, s19  }
0x9d: {  	s8 =	simm.s32 $0x0;
	s20 =	sshll.u32 s6, $0x1;
	s6 =	sadd.s32 s21, s4  }
0x9e: {  	[timem:s8], [sflag:s22] =	dma.local [hbm:s6], s20  }
0x9f: {  	_ =	swait.ge [sflag:s22], s20  }
0xa0: {  	s5 =	ssub.s32 $0x0, s20;
	[sflag:s22] =	ssyncset.done $0x0  }
0xa1: {  	[sflag:s22] =	ssyncadd.s32 s5;
	_ =	sdelay $0x1  }
0xa2: {  	s23 =	simm.s32 $0x1B8B  }
0xa3: {  	_ =	swait.ge [sflag:s23], $0x1  }
0xa4: {  	[sflag:s23] =	ssyncset.done $0x0  }
0xa5: {  	s25 =	simm.s32 $0x1B8E;
	s24 =	sld [smem:$0x3FFE];
	[sflag:s23] =	ssyncadd.s32 $0xFFFFFFFF  }
0xa6: {  	s26 =	simm.s32 $execute0_lowered;
	[smem:$0x3FD2] =	sst s25  }
0xa7: {  	s6 =	sshll.u32 s26, $0x1;
	_ =	strace $0x80000046;
	[dreg:$0x1] =	wrdreg $0xFFFFFFFF  }
0xa8: {  	s28 =	simm.s32 $_size_execute0_lowered;
	s4 =	sadd.s32 s4, s6;
	[dreg:$0x0] =	wrdreg $0x0  }
0xa9: {  	s6 =	sshll.u32 s28, $0x1;
	[dreg:$0x2] =	wrdreg s4  }
0xaa: {  	[dreg:$0x3] =	wrdreg s6  }
0xab: {  	[dreg:$0x4] =	wrdreg $0xC0  }
0xac: {  	_ =	task [dreg:s8], $0x5FFFF  }
0xad: {  	[dreg:$0x1] =	wrdreg $0xFFFFFFFF  }
0xae: {  	[dreg:$0x0] =	wrdreg $0x60  }
0xaf: {  	[dreg:$0x2] =	wrdreg s2  }
0xb0: {  	[dreg:$0x3] =	wrdreg s24  }
0xb1: {  	[dreg:$0x4] =	wrdreg s18  }
0xb2: {  	[dreg:$0x5] =	wrdreg $0x9  }
0xb3: {  	_ =	task.clear_ibuf [dreg:s8], $0x6FFFF;
	_ =	strace $0x90000046  }
0xb4: {  	s29 =	simm.s32 $0x9;
	_ =	strace $0x80000048  }
0xb5: {  	_ =	swait.ge [sflag:s29], $0x1  }
0xb6: {  	[sflag:s29] =	ssyncadd.s32 $0xFFFFFFFF  }
0xb7: {  	_ =	strace $0x90000048  }
0xb8: {  	_ =	sfence  }
0xb9: {  	s30 =	sld [smem:$0x0];
	_ =	sdelay $0x2  }
0xba: {  	s31 =	sshll.u32 s1, $0xD;
	s1 =	sshrl.u32 s1, $0x2  }
0xbb: {  	s3 =	sand.u32 $0x4000, s31;
	s1 =	sadd.s32 s1, s30  }
0xbc: {  	s0 =	sor.u32 s3, s0;
	s1 =	sshll.u32 s1, $0x11  }
0xbd: {  	s0 =	sor.u32 s1, s0  }
0xbe: {  	s0 =	sadd.s32 $0x8F2B, s0  }
0xbf: {  	[sflag:s0] =	ssyncadd.remote.s32 $0x1  }
0xc0: {  	_ =	sfence.sel $0xFFFF  }
0xc1: {  	[dreg:$0x0] =	wrdreg $0xFFFFFFFF;
	(pc) =	sbr.abs _section_cstart, $3  }
0xc2: {  	[dreg:$0x1] =	wrdreg $0xFFFFFFFF  }
0xc3: {  	_ =	task.clear_ibuf [dreg:s8], $0x2FFFF;
	_ =	strace $0x9FFFFFFF  }
0xc4: {  	(tm) =	ssettm $0x7FFFFFFF  }
0xc5: {  	_ =	shalt  }
tec
execute0_lowered:
.L_overlay_start_1:
0x0: {  	(tag) =	ssettag $0x1  }
0x1: {  	s2 =	rddreg [dreg:$0x0]  }
0x2: {  	s4 =	rddreg [dreg:$0x1];
	s0 =	srdreg.scid  }
0x3: {  	s6 =	rddreg [dreg:$0x2];
	s1 =	stileid.u32;
	s3 =	simm.s32 $0x0  }
0x4: {  	s10 =	simm.s32 $0x880;
	s11 =	simm.s32 $0x1080;
	s12 =	simm.s32 $0x1880  }
0x5: {  	s13 =	simm.s32 $0x2080;
	s14 =	simm.s32 $0x2880;
	s15 =	simm.s32 $0x3080  }
0x6: {  	s16 =	simm.s32 $0x3880;
	s17 =	simm.s32 $0x1;
	s5 =	sand.u32 $0x1, s0  }
0x7: {  	s0 =	rddreg [dreg:$0x3];
	s7 =	sshll.u32 s1, $0x6;
	s8 =	sshll.u32 s5, $0x5  }
0x8: {  	[smem:$0x7FF] =	sst s3;
	s5 =	ssub.s32 $0x2, s5;
	s7 =	sor.u32 s8, s7  }
0x9: {  	_ =	strace $0x80000047;
	s9 =	sshrl.u32 s5, $0x1;
	s8 =	sshrl.u32 s7, $0x3  }
0xa: {  	v2 =	vlaneseq.u32;
	s31 =	ssub.s32 s5, s9;
	s5 =	sadd.s32 $0x100, s2;
	s7 =	sshll.u32 s7, $0x6  }
0xb: {  	vm0 =	vmmov $0xffff;
	v1 =	vshrl.u32 v2, $0x3;
	s9 =	simm.s32 $0x80;
	s4 =	sadd.s32 s8, s4;
	s6 =	sadd.s32 s6, s7  }
0xc: {  	v0 =	vand.u32 $0x7, v2;
	v2 =	vor.u32 $0x8, v2;
	v1 =	vmul.u32 $0x8, v1;
	s7 =	smax.u32 s31, $0x1;
	s8 =	simm.s32 $0x2;
	s4 =	sadd.s32 $0xA00, s4  }
.LBB2_1:
0xd: {  	[tilespmem:s3], [sflag:$0x2] =	stream.linear.gather [hbm4b:s4+s3], $0x20, $0x38;
	[tilespmem:$0x4080] =	vst v63  }
0xe: {  	_ =	swait.ge [sflag:s8], $0x20  }
0xf: {  	[sflag:s8] =	ssyncset.done $0x0  }
0x10: {  	[sflag:s8] =	ssyncadd.s32 $0xFFFFFFE0  }
0x11: {  	v3 =	vld [tilespmem:$0x0];
	_ =	sdelay $0x4  }
0x12: {  	v4 =	vshll.u32 v3, $0x2  }
0x13: {  	v3 =	vand.u32 $0x7, v3;
	v4 =	vand.u32 $0xFFFFFFE0, v4  }
0x14: {  	v3 =	vor.u32 v3, v4  }
0x15: {  	v4 =	vperm.xlane v3, v0;
	_ =	sdelay $0x1  }
0x16: {  	v4 =	vadd.s32 v1, v4;
	_ =	sdelay $0x1  }
0x17: {  	v3 =	vperm.xlane v3, v2;
	_ =	sdelay $0x1  }
0x18: {  	v3 =	vadd.s32 v1, v3  }
0x19: {  	[tilespmem:s9], [sflag:$0x1] =	stream.indirect_vreg.gather [hbm4b:s2+s3], $0x80, v4, vm0, $0xb8;
	[tilespmem:$0x4080] =	vst v63  }
0x1a: {  	_ = 	snop  }
0x1b: {  	[tilespmem:s10], [sflag:$0x1] =	stream.indirect_vreg.gather [hbm4b:s5+s3], $0x80, v4, vm0, $0xb8;
	[tilespmem:$0x4080] =	vst v63  }
0x1c: {  	_ = 	snop  }
0x1d: {  	[tilespmem:s11], [sflag:$0x1] =	stream.indirect_vreg.gather [hbm4b:s2+s3], $0x80, v3, vm0, $0xb8;
	[tilespmem:$0x4080] =	vst v63  }
0x1e: {  	_ = 	snop  }
0x1f: {  	[tilespmem:s12], [sflag:$0x1] =	stream.indirect_vreg.gather [hbm4b:s5+s3], $0x80, v3, vm0, $0xb8;
	[tilespmem:$0x4080] =	vst v63  }
0x20: {  	v3 =	vld [tilespmem:$0x10];
	_ =	sdelay $0x4  }
0x21: {  	v63 =	vshll.u32 v3, $0x2  }
0x22: {  	v3 =	vand.u32 $0x7, v3;
	v4 =	vand.u32 $0xFFFFFFE0, v63  }
0x23: {  	v3 =	vor.u32 v3, v4  }
0x24: {  	v4 =	vperm.xlane v3, v0;
	_ =	sdelay $0x1  }
0x25: {  	v4 =	vadd.s32 v1, v4;
	_ =	sdelay $0x1  }
0x26: {  	v3 =	vperm.xlane v3, v2;
	_ =	sdelay $0x1  }
0x27: {  	v3 =	vadd.s32 v1, v3  }
0x28: {  	[tilespmem:s13], [sflag:$0x1] =	stream.indirect_vreg.gather [hbm4b:s2+s3], $0x80, v4, vm0, $0xb8;
	[tilespmem:$0x4080] =	vst v63  }
0x29: {  	_ = 	snop  }
0x2a: {  	[tilespmem:s14], [sflag:$0x1] =	stream.indirect_vreg.gather [hbm4b:s5+s3], $0x80, v4, vm0, $0xb8;
	[tilespmem:$0x4080] =	vst v63  }
0x2b: {  	_ = 	snop  }
0x2c: {  	[tilespmem:s15], [sflag:$0x1] =	stream.indirect_vreg.gather [hbm4b:s2+s3], $0x80, v3, vm0, $0xb8;
	[tilespmem:$0x4080] =	vst v63  }
0x2d: {  	_ = 	snop  }
0x2e: {  	[tilespmem:s16], [sflag:$0x1] =	stream.indirect_vreg.gather [hbm4b:s5+s3], $0x80, v3, vm0, $0xb8;
	[tilespmem:$0x4080] =	vst v63  }
0x2f: {  	_ =	swait.ge [sflag:s17], $0x4000  }
0x30: {  	p0 =	sne.s32 s7, $0x1;
	[sflag:s17] =	ssyncset.done $0x0  }
.Ltmp0:
0x31: {  	[sflag:s17] =	ssyncadd.s32 $0xFFFFC000;
	(pc) =	sbr.rel @p0 .LBB2_1-.Ltmp0, $4  }
0x32: {  	[hbm4b:s6+s3] =	stream.linear.scatter [tilespmem:s9], [sflag:$0x2], $0x4000, $0x38;
	[tilespmem:$0x4080] =	vst v63  }
0x33: {  	_ =	swait.ge [sflag:s8], $0x4000  }
0x34: {  	[sflag:s8] =	ssyncset.done $0x0  }
0x35: {  	s7 =	sadd.s32 $0xFFFFFFFF, s7;
	[sflag:s8] =	ssyncadd.s32 $0xFFFFC000  }
0x36: {  	_ =	sfence.sel $0x180000  }
0x37: {  	[bflag:$0x0] =	sbarrier.arrive $0xFFFF  }
0x38: {  	p0 =	sne.s32 s1, $0x0;
	_ =	strace $0x90000047  }
0x39: {  	s0 =	sadd.s32 @!p0 $0x100000, s0;
	[bflag:$0x2] =	sbarrier.arrive $0xFFFF  }
0x3a: {  	[sflag:s0] =	ssyncadd.tile.s32 @!p0 $0x1;
	_ =	shalt  }
.Lfunc_end2:
_tile_overlayer_lowered:
.L_overlay_start_2:
0x3b: {  	(tag) =	ssettag $0x2  }
0x3c: {  	s0 =	rddreg [dreg:$0x0];
	s2 =	stileid.u32  }
0x3d: {  	s1 =	rddreg [dreg:$0x1];
	p0 =	sne.s32 s2, $0x0  }
0x3e: {  	s3 =	rddreg [dreg:$0x2];
	[bflag:$0x3] =	sbarrier.arrive $0xFFFF;
	s2 =	simm.s32 @!p0 $0x1C02  }
0x3f: {  	[timem:s3], [sflag:s2] =	dma.local @!p0 [hbm:s0], s1  }
0x40: {  	s0 =	simm.s32 @!p0 $0x2  }
0x41: {  	_ =	swait.ge @!p0 [sflag:s0], s1  }
0x42: {  	s1 =	ssub.s32 @!p0 $0x0, s1;
	[sflag:s0] =	ssyncset.done @!p0 $0x0  }
0x43: {  	[sflag:s0] =	ssyncadd.s32 @!p0 s1  }
0x44: {  	[bflag:$0x3] =	sbarrier.arrive $0xFFFF  }
0x45: {  	_ =	shalt  }

</sc_bundles>
